<compile_context>
chip_gen: v7x
topology: tpu7x:2x2x1
jax: 0.10.2.dev20260603
libtpu: 0.0.44.dev20260713+nightly
codegen_flags: <defaults>
</compile_context>

<pallas_src>
import functools

import jax
import jax.numpy as jnp
from jax import lax
from jax.experimental import pallas as pl
from jax.experimental.pallas import tpu as pltpu
from jax.experimental.pallas import tpu_sc as plsc

M = 8
KS = 256
DS = 16

NC = 2
NS = 16
NW = NC * NS


def _encode_body(vecst_ref, cw_ref, codes_ref):
    def _score(m):
        sub = vecst_ref[m * DS:(m + 1) * DS, :]
        cw = cw_ref[m * KS:(m + 1) * KS, :]
        xc = jnp.dot(cw, sub, preferred_element_type=jnp.float32)
        c2h = 0.5 * jnp.sum(cw * cw, axis=1, keepdims=True)
        return c2h - xc

    def _argmin(score, m):
        idx = jnp.argmin(score, axis=0, keepdims=True).astype(jnp.int32)
        return idx + m * KS

    rows = []
    score_prev = _score(0)
    for m in range(1, M):
        score_next = _score(m)
        rows.append(_argmin(score_prev, m - 1))
        score_prev = score_next
    rows.append(_argmin(score_prev, M - 1))
    codes_ref[:, :] = jnp.concatenate(rows, axis=0)


def _encode(vecst, cw, block_b):
    n = vecst.shape[1]
    grid = (n // block_b,)
    return pl.pallas_call(
        _encode_body,
        grid=grid,
        in_specs=[
            pl.BlockSpec((M * DS, block_b), lambda i: (0, i)),
            pl.BlockSpec((M * KS, DS), lambda i: (0, 0)),
        ],
        out_specs=pl.BlockSpec((M, block_b), lambda i: (0, i)),
        out_shape=jax.ShapeDtypeStruct((M, n), jnp.int32),
    )(vecst, cw)


def _make_decode(total, chunk):
    b_per_w = total // NW
    n_chunks = b_per_w // chunk
    mesh = plsc.VectorSubcoreMesh(
        core_axis_name="c", subcore_axis_name="s",
        num_cores=NC, num_subcores=NS)

    @functools.partial(
        pl.kernel,
        out_type=jax.ShapeDtypeStruct((total, DS), jnp.float32),
        mesh=mesh,
        scratch_types=[
            pltpu.VMEM((chunk,), jnp.int32),
            pltpu.VMEM((chunk, DS), jnp.float32),
            pltpu.SemaphoreType.DMA,
        ],
        compiler_params=pltpu.CompilerParams(use_tc_tiling_on_sc=False),
    )
    def decode(table_hbm, idx_hbm, out_hbm, idx_v, rows_v, sem):
        wid = lax.axis_index("s") * NC + lax.axis_index("c")
        base = wid * b_per_w
        for c in range(n_chunks):
            off = base + c * chunk
            pltpu.sync_copy(idx_hbm.at[pl.ds(off, chunk)], idx_v)
            pltpu.async_copy(table_hbm.at[idx_v], rows_v, sem).wait()
            pltpu.sync_copy(rows_v, out_hbm.at[pl.ds(off, chunk)])

    return decode


def kernel(vecs, codewords):
    n, d = vecs.shape
    m_, ks_, ds_ = codewords.shape
    table = codewords.reshape(m_ * ks_, ds_)
    codes = _encode(vecs.T, table, block_b=4096)
    flat_codes = codes.T.reshape(n * m_)
    rows = _make_decode(n * m_, 2048)(table, flat_codes)
    return rows.reshape(n, d)

# --- scband reference (transcript-rebuilt; emitter-appended) ---
"""Pipeline reference for scband-pq-87540023427438 (READ-ONLY COPY).

The authoritative reference and input builder live on the scoring server;
editing this copy changes nothing except your own understanding.
"""

import jax, jax.numpy as jnp
import numpy as np

M = 8
Ks = 256
N = 32768
D = 128
Ds = D // M

def setup_inputs(seed: int = 0) -> dict:
    key = jax.random.key(seed)
    k1, k2 = jax.random.split(key)
    vecs = jax.random.normal(k1, (N, D), dtype=jnp.float32)
    codewords = jax.random.normal(k2, (M, Ks, Ds), dtype=jnp.float32)
    return {"vecs": vecs, "codewords": codewords}

def reference(vecs, codewords):
    # Faithful PQ encode (scipy.cluster.vq.vq == nearest-centroid in L2) followed by decode,
    # vectorized over the M subspaces instead of the python loop.
    N_, D_ = vecs.shape
    M_, Ks_, Ds_ = codewords.shape
    # torch.split(vecs, Ds, dim=1) -> reshape into [N, M, Ds]
    sub = vecs.reshape(N_, M_, Ds_)
    # squared L2 distances to every codeword in each subspace: [N, M, Ks]
    x2 = jnp.sum(sub * sub, axis=-1)[:, :, None]
    c2 = jnp.sum(codewords * codewords, axis=-1)[None, :, :]
    xc = jnp.einsum('nmd,mkd->nmk', sub, codewords)
    dists = x2 - 2.0 * xc + c2
    # encode: vq -> argmin over codewords (codes: int64[N, M])
    codes = jnp.argmin(dists, axis=-1)
    # decode: gather codewords[m][codes[:, m]] and concatenate along feature dim
    quantized = codewords[jnp.arange(M_)[None, :], codes]  # [N, M, Ds]
    vecs_out = quantized.reshape(N_, M_ * Ds_)
    return vecs_out

if __name__ == "__main__":
    import jax
    _d = setup_inputs()
    print(jax.jit(kernel)(*tuple(_d.values())))

</pallas_src>

<mosaic_0001>
#map = affine_map<(d0, d1) -> (0, 0)>
#map1 = affine_map<(d0, d1) -> (0)>
module attributes {stable_mosaic.version = 14 : i64} {
  func.func @decode(%arg0: i32, %arg1: i32, %arg2: memref<2048x16xf32, #tpu.memory_space<hbm>>, %arg3: memref<262144xi32, #tpu.memory_space<hbm>>, %arg4: memref<262144x16xf32, #tpu.memory_space<hbm>>, %arg5: memref<2048xi32, #tpu.memory_space<vmem>>, %arg6: memref<2048x16xf32, #tpu.memory_space<vmem>>, %arg7: memref<!tpu.dma_semaphore, #tpu.memory_space<semaphore_mem>>) attributes {dimension_semantics = [#tpu.dimension_semantics<core_parallel>, #tpu.dimension_semantics<subcore_parallel>], iteration_bounds = array<i64: 2, 16>, scalar_prefetch = 0 : i64, scratch_operands = 3 : i64, tpu.core_type = #tpu.core_type<sc_vector_subcore>, window_params = [{transform_indices = #map}, {transform_indices = #map1}, {transform_indices = #map}]} {
    %mul3A = arith.constant 2 : i32
    %mul3A_0 = arith.muli %arg1, %mul3A : i32
    %add3A = arith.addi %mul3A_0, %arg0 : i32
    %mul3A_1 = arith.constant 8192 : i32
    %mul3A_2 = arith.muli %add3A, %mul3A_1 : i32
    %add3A_3 = arith.constant 0 : i32
    %add3A_4 = arith.addi %mul3A_2, %add3A_3 : i32
    "tpu.region"() ({
      %run_scoped3A = tpu.sem_alloc : memref<!tpu.dma_semaphore, #tpu.memory_space<semaphore_mem>>
      %dma_start3A_33 = tpu.memref_slice %arg3[%add3A_4] : memref<262144xi32, #tpu.memory_space<hbm>> -> memref<2048xi32, #tpu.memory_space<hbm>>
      %dma_start3A_34 = tpu.memref_slice %arg3[%add3A_4] : memref<262144xi32, #tpu.memory_space<hbm>> -> memref<2048xi32, #tpu.memory_space<hbm>>
      tpu.enqueue_dma source(%dma_start3A_34 : memref<2048xi32, #tpu.memory_space<hbm>>) target(%arg5 : memref<2048xi32, #tpu.memory_space<vmem>>) target_semaphore(%run_scoped3A : memref<!tpu.dma_semaphore, #tpu.memory_space<semaphore_mem>>)
      %dma_wait3A_35 = tpu.memref_slice %arg3[%add3A_4] : memref<262144xi32, #tpu.memory_space<hbm>> -> memref<2048xi32, #tpu.memory_space<hbm>>
      %dma_wait3A_36 = tpu.memref_slice %arg3[%add3A_4] : memref<262144xi32, #tpu.memory_space<hbm>> -> memref<2048xi32, #tpu.memory_space<hbm>>
      tpu.wait_dma2 semaphore(%run_scoped3A : memref<!tpu.dma_semaphore, #tpu.memory_space<semaphore_mem>>) src(%dma_wait3A_36 : memref<2048xi32, #tpu.memory_space<hbm>>) dst(%arg5 : memref<2048xi32, #tpu.memory_space<vmem>>)
      tpu.yield
    }) : () -> ()
    %dma_start3A = arith.constant 0 : i32
    %dma_start3A_5 = arith.constant 0 : i32
    %dma_start3A_6 = tpu.memref_slice %arg2[%dma_start3A, %dma_start3A_5] : memref<2048x16xf32, #tpu.memory_space<hbm>> -> memref<2048x16xf32, #tpu.memory_space<hbm>>
    tpu.enqueue_indirect_dma source(%dma_start3A_6 : memref<2048x16xf32, #tpu.memory_space<hbm>>) target(%arg6 : memref<2048x16xf32, #tpu.memory_space<vmem>>) offsets(%arg5 : memref<2048xi32, #tpu.memory_space<vmem>>) semaphore(%arg7 : memref<!tpu.dma_semaphore, #tpu.memory_space<semaphore_mem>>)
    %dma_wait3A = arith.constant 0 : i32
    %dma_wait3A_7 = arith.constant 0 : i32
    %dma_wait3A_8 = tpu.memref_slice %arg2[%dma_wait3A, %dma_wait3A_7] : memref<2048x16xf32, #tpu.memory_space<hbm>> -> memref<2048x16xf32, #tpu.memory_space<hbm>>
    tpu.wait_indirect_dma semaphore(%arg7 : memref<!tpu.dma_semaphore, #tpu.memory_space<semaphore_mem>>) src(%dma_wait3A_8 : memref<2048x16xf32, #tpu.memory_space<hbm>>) dst(%arg6 : memref<2048x16xf32, #tpu.memory_space<vmem>>)
    "tpu.region"() ({
      %run_scoped3A = tpu.sem_alloc : memref<!tpu.dma_semaphore, #tpu.memory_space<semaphore_mem>>
      %dma_start3A_33 = arith.constant 0 : i32
      %dma_start3A_34 = tpu.memref_slice %arg4[%add3A_4, %dma_start3A_33] : memref<262144x16xf32, #tpu.memory_space<hbm>> -> memref<2048x16xf32, #tpu.memory_space<hbm>>
      %dma_start3A_35 = arith.constant 0 : i32
      %dma_start3A_36 = tpu.memref_slice %arg4[%add3A_4, %dma_start3A_35] : memref<262144x16xf32, #tpu.memory_space<hbm>> -> memref<2048x16xf32, #tpu.memory_space<hbm>>
      tpu.enqueue_dma source(%arg6 : memref<2048x16xf32, #tpu.memory_space<vmem>>) target(%dma_start3A_36 : memref<2048x16xf32, #tpu.memory_space<hbm>>) target_semaphore(%run_scoped3A : memref<!tpu.dma_semaphore, #tpu.memory_space<semaphore_mem>>)
      %dma_wait3A_37 = arith.constant 0 : i32
      %dma_wait3A_38 = tpu.memref_slice %arg4[%add3A_4, %dma_wait3A_37] : memref<262144x16xf32, #tpu.memory_space<hbm>> -> memref<2048x16xf32, #tpu.memory_space<hbm>>
      %dma_wait3A_39 = arith.constant 0 : i32
      %dma_wait3A_40 = tpu.memref_slice %arg4[%add3A_4, %dma_wait3A_39] : memref<262144x16xf32, #tpu.memory_space<hbm>> -> memref<2048x16xf32, #tpu.memory_space<hbm>>
      tpu.wait_dma2 semaphore(%run_scoped3A : memref<!tpu.dma_semaphore, #tpu.memory_space<semaphore_mem>>) src(%arg6 : memref<2048x16xf32, #tpu.memory_space<vmem>>) dst(%dma_wait3A_40 : memref<2048x16xf32, #tpu.memory_space<hbm>>)
      tpu.yield
    }) : () -> ()
    %add3A_9 = arith.constant 2048 : i32
    %add3A_10 = arith.addi %mul3A_2, %add3A_9 : i32
    "tpu.region"() ({
      %run_scoped3A = tpu.sem_alloc : memref<!tpu.dma_semaphore, #tpu.memory_space<semaphore_mem>>
      %dma_start3A_33 = tpu.memref_slice %arg3[%add3A_10] : memref<262144xi32, #tpu.memory_space<hbm>> -> memref<2048xi32, #tpu.memory_space<hbm>>
      %dma_start3A_34 = tpu.memref_slice %arg3[%add3A_10] : memref<262144xi32, #tpu.memory_space<hbm>> -> memref<2048xi32, #tpu.memory_space<hbm>>
      tpu.enqueue_dma source(%dma_start3A_34 : memref<2048xi32, #tpu.memory_space<hbm>>) target(%arg5 : memref<2048xi32, #tpu.memory_space<vmem>>) target_semaphore(%run_scoped3A : memref<!tpu.dma_semaphore, #tpu.memory_space<semaphore_mem>>)
      %dma_wait3A_35 = tpu.memref_slice %arg3[%add3A_10] : memref<262144xi32, #tpu.memory_space<hbm>> -> memref<2048xi32, #tpu.memory_space<hbm>>
      %dma_wait3A_36 = tpu.memref_slice %arg3[%add3A_10] : memref<262144xi32, #tpu.memory_space<hbm>> -> memref<2048xi32, #tpu.memory_space<hbm>>
      tpu.wait_dma2 semaphore(%run_scoped3A : memref<!tpu.dma_semaphore, #tpu.memory_space<semaphore_mem>>) src(%dma_wait3A_36 : memref<2048xi32, #tpu.memory_space<hbm>>) dst(%arg5 : memref<2048xi32, #tpu.memory_space<vmem>>)
      tpu.yield
    }) : () -> ()
    %dma_start3A_11 = arith.constant 0 : i32
    %dma_start3A_12 = arith.constant 0 : i32
    %dma_start3A_13 = tpu.memref_slice %arg2[%dma_start3A_11, %dma_start3A_12] : memref<2048x16xf32, #tpu.memory_space<hbm>> -> memref<2048x16xf32, #tpu.memory_space<hbm>>
    tpu.enqueue_indirect_dma source(%dma_start3A_13 : memref<2048x16xf32, #tpu.memory_space<hbm>>) target(%arg6 : memref<2048x16xf32, #tpu.memory_space<vmem>>) offsets(%arg5 : memref<2048xi32, #tpu.memory_space<vmem>>) semaphore(%arg7 : memref<!tpu.dma_semaphore, #tpu.memory_space<semaphore_mem>>)
    %dma_wait3A_14 = arith.constant 0 : i32
    %dma_wait3A_15 = arith.constant 0 : i32
    %dma_wait3A_16 = tpu.memref_slice %arg2[%dma_wait3A_14, %dma_wait3A_15] : memref<2048x16xf32, #tpu.memory_space<hbm>> -> memref<2048x16xf32, #tpu.memory_space<hbm>>
    tpu.wait_indirect_dma semaphore(%arg7 : memref<!tpu.dma_semaphore, #tpu.memory_space<semaphore_mem>>) src(%dma_wait3A_16 : memref<2048x16xf32, #tpu.memory_space<hbm>>) dst(%arg6 : memref<2048x16xf32, #tpu.memory_space<vmem>>)
    "tpu.region"() ({
      %run_scoped3A = tpu.sem_alloc : memref<!tpu.dma_semaphore, #tpu.memory_space<semaphore_mem>>
      %dma_start3A_33 = arith.constant 0 : i32
      %dma_start3A_34 = tpu.memref_slice %arg4[%add3A_10, %dma_start3A_33] : memref<262144x16xf32, #tpu.memory_space<hbm>> -> memref<2048x16xf32, #tpu.memory_space<hbm>>
      %dma_start3A_35 = arith.constant 0 : i32
      %dma_start3A_36 = tpu.memref_slice %arg4[%add3A_10, %dma_start3A_35] : memref<262144x16xf32, #tpu.memory_space<hbm>> -> memref<2048x16xf32, #tpu.memory_space<hbm>>
      tpu.enqueue_dma source(%arg6 : memref<2048x16xf32, #tpu.memory_space<vmem>>) target(%dma_start3A_36 : memref<2048x16xf32, #tpu.memory_space<hbm>>) target_semaphore(%run_scoped3A : memref<!tpu.dma_semaphore, #tpu.memory_space<semaphore_mem>>)
      %dma_wait3A_37 = arith.constant 0 : i32
      %dma_wait3A_38 = tpu.memref_slice %arg4[%add3A_10, %dma_wait3A_37] : memref<262144x16xf32, #tpu.memory_space<hbm>> -> memref<2048x16xf32, #tpu.memory_space<hbm>>
      %dma_wait3A_39 = arith.constant 0 : i32
      %dma_wait3A_40 = tpu.memref_slice %arg4[%add3A_10, %dma_wait3A_39] : memref<262144x16xf32, #tpu.memory_space<hbm>> -> memref<2048x16xf32, #tpu.memory_space<hbm>>
      tpu.wait_dma2 semaphore(%run_scoped3A : memref<!tpu.dma_semaphore, #tpu.memory_space<semaphore_mem>>) src(%arg6 : memref<2048x16xf32, #tpu.memory_space<vmem>>) dst(%dma_wait3A_40 : memref<2048x16xf32, #tpu.memory_space<hbm>>)
      tpu.yield
    }) : () -> ()
    %add3A_17 = arith.constant 4096 : i32
    %add3A_18 = arith.addi %mul3A_2, %add3A_17 : i32
    "tpu.region"() ({
      %run_scoped3A = tpu.sem_alloc : memref<!tpu.dma_semaphore, #tpu.memory_space<semaphore_mem>>
      %dma_start3A_33 = tpu.memref_slice %arg3[%add3A_18] : memref<262144xi32, #tpu.memory_space<hbm>> -> memref<2048xi32, #tpu.memory_space<hbm>>
      %dma_start3A_34 = tpu.memref_slice %arg3[%add3A_18] : memref<262144xi32, #tpu.memory_space<hbm>> -> memref<2048xi32, #tpu.memory_space<hbm>>
      tpu.enqueue_dma source(%dma_start3A_34 : memref<2048xi32, #tpu.memory_space<hbm>>) target(%arg5 : memref<2048xi32, #tpu.memory_space<vmem>>) target_semaphore(%run_scoped3A : memref<!tpu.dma_semaphore, #tpu.memory_space<semaphore_mem>>)
      %dma_wait3A_35 = tpu.memref_slice %arg3[%add3A_18] : memref<262144xi32, #tpu.memory_space<hbm>> -> memref<2048xi32, #tpu.memory_space<hbm>>
      %dma_wait3A_36 = tpu.memref_slice %arg3[%add3A_18] : memref<262144xi32, #tpu.memory_space<hbm>> -> memref<2048xi32, #tpu.memory_space<hbm>>
      tpu.wait_dma2 semaphore(%run_scoped3A : memref<!tpu.dma_semaphore, #tpu.memory_space<semaphore_mem>>) src(%dma_wait3A_36 : memref<2048xi32, #tpu.memory_space<hbm>>) dst(%arg5 : memref<2048xi32, #tpu.memory_space<vmem>>)
      tpu.yield
    }) : () -> ()
    %dma_start3A_19 = arith.constant 0 : i32
    %dma_start3A_20 = arith.constant 0 : i32
    %dma_start3A_21 = tpu.memref_slice %arg2[%dma_start3A_19, %dma_start3A_20] : memref<2048x16xf32, #tpu.memory_space<hbm>> -> memref<2048x16xf32, #tpu.memory_space<hbm>>
    tpu.enqueue_indirect_dma source(%dma_start3A_21 : memref<2048x16xf32, #tpu.memory_space<hbm>>) target(%arg6 : memref<2048x16xf32, #tpu.memory_space<vmem>>) offsets(%arg5 : memref<2048xi32, #tpu.memory_space<vmem>>) semaphore(%arg7 : memref<!tpu.dma_semaphore, #tpu.memory_space<semaphore_mem>>)
    %dma_wait3A_22 = arith.constant 0 : i32
    %dma_wait3A_23 = arith.constant 0 : i32
    %dma_wait3A_24 = tpu.memref_slice %arg2[%dma_wait3A_22, %dma_wait3A_23] : memref<2048x16xf32, #tpu.memory_space<hbm>> -> memref<2048x16xf32, #tpu.memory_space<hbm>>
    tpu.wait_indirect_dma semaphore(%arg7 : memref<!tpu.dma_semaphore, #tpu.memory_space<semaphore_mem>>) src(%dma_wait3A_24 : memref<2048x16xf32, #tpu.memory_space<hbm>>) dst(%arg6 : memref<2048x16xf32, #tpu.memory_space<vmem>>)
    "tpu.region"() ({
      %run_scoped3A = tpu.sem_alloc : memref<!tpu.dma_semaphore, #tpu.memory_space<semaphore_mem>>
      %dma_start3A_33 = arith.constant 0 : i32
      %dma_start3A_34 = tpu.memref_slice %arg4[%add3A_18, %dma_start3A_33] : memref<262144x16xf32, #tpu.memory_space<hbm>> -> memref<2048x16xf32, #tpu.memory_space<hbm>>
      %dma_start3A_35 = arith.constant 0 : i32
      %dma_start3A_36 = tpu.memref_slice %arg4[%add3A_18, %dma_start3A_35] : memref<262144x16xf32, #tpu.memory_space<hbm>> -> memref<2048x16xf32, #tpu.memory_space<hbm>>
      tpu.enqueue_dma source(%arg6 : memref<2048x16xf32, #tpu.memory_space<vmem>>) target(%dma_start3A_36 : memref<2048x16xf32, #tpu.memory_space<hbm>>) target_semaphore(%run_scoped3A : memref<!tpu.dma_semaphore, #tpu.memory_space<semaphore_mem>>)
      %dma_wait3A_37 = arith.constant 0 : i32
      %dma_wait3A_38 = tpu.memref_slice %arg4[%add3A_18, %dma_wait3A_37] : memref<262144x16xf32, #tpu.memory_space<hbm>> -> memref<2048x16xf32, #tpu.memory_space<hbm>>
      %dma_wait3A_39 = arith.constant 0 : i32
      %dma_wait3A_40 = tpu.memref_slice %arg4[%add3A_18, %dma_wait3A_39] : memref<262144x16xf32, #tpu.memory_space<hbm>> -> memref<2048x16xf32, #tpu.memory_space<hbm>>
      tpu.wait_dma2 semaphore(%run_scoped3A : memref<!tpu.dma_semaphore, #tpu.memory_space<semaphore_mem>>) src(%arg6 : memref<2048x16xf32, #tpu.memory_space<vmem>>) dst(%dma_wait3A_40 : memref<2048x16xf32, #tpu.memory_space<hbm>>)
      tpu.yield
    }) : () -> ()
    %add3A_25 = arith.constant 6144 : i32
    %add3A_26 = arith.addi %mul3A_2, %add3A_25 : i32
    "tpu.region"() ({
      %run_scoped3A = tpu.sem_alloc : memref<!tpu.dma_semaphore, #tpu.memory_space<semaphore_mem>>
      %dma_start3A_33 = tpu.memref_slice %arg3[%add3A_26] : memref<262144xi32, #tpu.memory_space<hbm>> -> memref<2048xi32, #tpu.memory_space<hbm>>
      %dma_start3A_34 = tpu.memref_slice %arg3[%add3A_26] : memref<262144xi32, #tpu.memory_space<hbm>> -> memref<2048xi32, #tpu.memory_space<hbm>>
      tpu.enqueue_dma source(%dma_start3A_34 : memref<2048xi32, #tpu.memory_space<hbm>>) target(%arg5 : memref<2048xi32, #tpu.memory_space<vmem>>) target_semaphore(%run_scoped3A : memref<!tpu.dma_semaphore, #tpu.memory_space<semaphore_mem>>)
      %dma_wait3A_35 = tpu.memref_slice %arg3[%add3A_26] : memref<262144xi32, #tpu.memory_space<hbm>> -> memref<2048xi32, #tpu.memory_space<hbm>>
      %dma_wait3A_36 = tpu.memref_slice %arg3[%add3A_26] : memref<262144xi32, #tpu.memory_space<hbm>> -> memref<2048xi32, #tpu.memory_space<hbm>>
      tpu.wait_dma2 semaphore(%run_scoped3A : memref<!tpu.dma_semaphore, #tpu.memory_space<semaphore_mem>>) src(%dma_wait3A_36 : memref<2048xi32, #tpu.memory_space<hbm>>) dst(%arg5 : memref<2048xi32, #tpu.memory_space<vmem>>)
      tpu.yield
    }) : () -> ()
    %dma_start3A_27 = arith.constant 0 : i32
    %dma_start3A_28 = arith.constant 0 : i32
    %dma_start3A_29 = tpu.memref_slice %arg2[%dma_start3A_27, %dma_start3A_28] : memref<2048x16xf32, #tpu.memory_space<hbm>> -> memref<2048x16xf32, #tpu.memory_space<hbm>>
    tpu.enqueue_indirect_dma source(%dma_start3A_29 : memref<2048x16xf32, #tpu.memory_space<hbm>>) target(%arg6 : memref<2048x16xf32, #tpu.memory_space<vmem>>) offsets(%arg5 : memref<2048xi32, #tpu.memory_space<vmem>>) semaphore(%arg7 : memref<!tpu.dma_semaphore, #tpu.memory_space<semaphore_mem>>)
    %dma_wait3A_30 = arith.constant 0 : i32
    %dma_wait3A_31 = arith.constant 0 : i32
    %dma_wait3A_32 = tpu.memref_slice %arg2[%dma_wait3A_30, %dma_wait3A_31] : memref<2048x16xf32, #tpu.memory_space<hbm>> -> memref<2048x16xf32, #tpu.memory_space<hbm>>
    tpu.wait_indirect_dma semaphore(%arg7 : memref<!tpu.dma_semaphore, #tpu.memory_space<semaphore_mem>>) src(%dma_wait3A_32 : memref<2048x16xf32, #tpu.memory_space<hbm>>) dst(%arg6 : memref<2048x16xf32, #tpu.memory_space<vmem>>)
    "tpu.region"() ({
      %run_scoped3A = tpu.sem_alloc : memref<!tpu.dma_semaphore, #tpu.memory_space<semaphore_mem>>
      %dma_start3A_33 = arith.constant 0 : i32
      %dma_start3A_34 = tpu.memref_slice %arg4[%add3A_26, %dma_start3A_33] : memref<262144x16xf32, #tpu.memory_space<hbm>> -> memref<2048x16xf32, #tpu.memory_space<hbm>>
      %dma_start3A_35 = arith.constant 0 : i32
      %dma_start3A_36 = tpu.memref_slice %arg4[%add3A_26, %dma_start3A_35] : memref<262144x16xf32, #tpu.memory_space<hbm>> -> memref<2048x16xf32, #tpu.memory_space<hbm>>
      tpu.enqueue_dma source(%arg6 : memref<2048x16xf32, #tpu.memory_space<vmem>>) target(%dma_start3A_36 : memref<2048x16xf32, #tpu.memory_space<hbm>>) target_semaphore(%run_scoped3A : memref<!tpu.dma_semaphore, #tpu.memory_space<semaphore_mem>>)
      %dma_wait3A_37 = arith.constant 0 : i32
      %dma_wait3A_38 = tpu.memref_slice %arg4[%add3A_26, %dma_wait3A_37] : memref<262144x16xf32, #tpu.memory_space<hbm>> -> memref<2048x16xf32, #tpu.memory_space<hbm>>
      %dma_wait3A_39 = arith.constant 0 : i32
      %dma_wait3A_40 = tpu.memref_slice %arg4[%add3A_26, %dma_wait3A_39] : memref<262144x16xf32, #tpu.memory_space<hbm>> -> memref<2048x16xf32, #tpu.memory_space<hbm>>
      tpu.wait_dma2 semaphore(%run_scoped3A : memref<!tpu.dma_semaphore, #tpu.memory_space<semaphore_mem>>) src(%arg6 : memref<2048x16xf32, #tpu.memory_space<vmem>>) dst(%dma_wait3A_40 : memref<2048x16xf32, #tpu.memory_space<hbm>>)
      tpu.yield
    }) : () -> ()
    return
  }
}

module attributes {stable_mosaic.version = 14 : i64} {
  func.func @_encode_body(%arg0: i32, %arg1: memref<128x4096xf32, #tpu.memory_space<vmem>>, %arg2: memref<2048x16xf32, #tpu.memory_space<vmem>>, %arg3: memref<8x4096xi32, #tpu.memory_space<vmem>>) attributes {dimension_semantics = [#tpu.dimension_semantics<arbitrary>], iteration_bounds = array<i64: 8>, scalar_prefetch = 0 : i64, scratch_operands = 0 : i64, tpu.core_type = #tpu.core_type<tc>, window_params = [{transform_indices = @transform_0, window_bounds = array<i64: 128, 4096>}, {pipeline_mode = #tpu.pipeline_mode<synchronous>, transform_indices = @transform_1, window_bounds = array<i64: 2048, 16>}, {transform_indices = @transform_2, window_bounds = array<i64: 8, 4096>}]} {
    %get3A = arith.constant 0 : index
    %get3A_0 = arith.constant 0 : index
    %get3A_1 = vector.load %arg1[%get3A, %get3A_0] : memref<128x4096xf32, #tpu.memory_space<vmem>>, vector<16x4096xf32>
    %get3A_2 = arith.constant 0 : index
    %get3A_3 = arith.constant 0 : index
    %get3A_4 = vector.load %arg2[%get3A_2, %get3A_3] : memref<2048x16xf32, #tpu.memory_space<vmem>>, vector<256x16xf32>
    %dot_general3A = arith.constant dense<0.000000e+00> : vector<256x4096xf32>
    %dot_general3A_5 = tpu.matmul %get3A_4, %get3A_1, %dot_general3A {dimension_numbers = #tpu.dot_dimension_numbers<[1], [0], [0], [1], [0, 0, 1, 1], [], []>, transpose_lhs_hint = false} : vector<256x16xf32>, vector<16x4096xf32>, vector<256x4096xf32> -> vector<256x4096xf32>
    %mul3A = arith.mulf %get3A_4, %get3A_4 : vector<256x16xf32>
    %reduce_sum3A = arith.constant dense<0.000000e+00> : vector<256xf32>
    %reduce_sum3A_6 = vector.multi_reduction <add>, %mul3A, %reduce_sum3A [1] : vector<256x16xf32> to vector<256xf32>
    %broadcast_in_dim3A = vector.shape_cast %reduce_sum3A_6 : vector<256xf32> to vector<256x1xf32>
    %mul3A_7 = arith.constant 5.000000e-01 : f32
    %mul3A_8 = vector.broadcast %mul3A_7 : f32 to vector<256x1xf32>
    %mul3A_9 = arith.mulf %mul3A_8, %broadcast_in_dim3A : vector<256x1xf32>
    %sub3A = vector.broadcast %mul3A_9 : vector<256x1xf32> to vector<256x4096xf32>
    %sub3A_10 = arith.subf %sub3A, %dot_general3A_5 : vector<256x4096xf32>
    %get3A_11 = arith.constant 16 : index
    %get3A_12 = arith.constant 0 : index
    %get3A_13 = vector.load %arg1[%get3A_11, %get3A_12] : memref<128x4096xf32, #tpu.memory_space<vmem>>, vector<16x4096xf32>
    %get3A_14 = arith.constant 256 : index
    %get3A_15 = arith.constant 0 : index
    %get3A_16 = vector.load %arg2[%get3A_14, %get3A_15] : memref<2048x16xf32, #tpu.memory_space<vmem>>, vector<256x16xf32>
    %dot_general3A_17 = arith.constant dense<0.000000e+00> : vector<256x4096xf32>
    %dot_general3A_18 = tpu.matmul %get3A_16, %get3A_13, %dot_general3A_17 {dimension_numbers = #tpu.dot_dimension_numbers<[1], [0], [0], [1], [0, 0, 1, 1], [], []>, transpose_lhs_hint = false} : vector<256x16xf32>, vector<16x4096xf32>, vector<256x4096xf32> -> vector<256x4096xf32>
    %mul3A_19 = arith.mulf %get3A_16, %get3A_16 : vector<256x16xf32>
    %reduce_sum3A_20 = arith.constant dense<0.000000e+00> : vector<256xf32>
    %reduce_sum3A_21 = vector.multi_reduction <add>, %mul3A_19, %reduce_sum3A_20 [1] : vector<256x16xf32> to vector<256xf32>
    %broadcast_in_dim3A_22 = vector.shape_cast %reduce_sum3A_21 : vector<256xf32> to vector<256x1xf32>
    %mul3A_23 = arith.constant 5.000000e-01 : f32
    %mul3A_24 = vector.broadcast %mul3A_23 : f32 to vector<256x1xf32>
    %mul3A_25 = arith.mulf %mul3A_24, %broadcast_in_dim3A_22 : vector<256x1xf32>
    %sub3A_26 = vector.broadcast %mul3A_25 : vector<256x1xf32> to vector<256x4096xf32>
    %sub3A_27 = arith.subf %sub3A_26, %dot_general3A_18 : vector<256x4096xf32>
    %argmin3A = tpu.reduce_index %sub3A_10 {axis = 0 : i32, kind = #tpu.reduction_kind<arg_min>} : vector<256x4096xf32> -> vector<4096xi32>
    %broadcast_in_dim3A_28 = vector.shape_cast %argmin3A : vector<4096xi32> to vector<1x4096xi32>
    %add3A = arith.constant 0 : i32
    %add3A_29 = vector.broadcast %add3A : i32 to vector<1x4096xi32>
    %add3A_30 = arith.addi %broadcast_in_dim3A_28, %add3A_29 : vector<1x4096xi32>
    %get3A_31 = arith.constant 32 : index
    %get3A_32 = arith.constant 0 : index
    %get3A_33 = vector.load %arg1[%get3A_31, %get3A_32] : memref<128x4096xf32, #tpu.memory_space<vmem>>, vector<16x4096xf32>
    %get3A_34 = arith.constant 512 : index
    %get3A_35 = arith.constant 0 : index
    %get3A_36 = vector.load %arg2[%get3A_34, %get3A_35] : memref<2048x16xf32, #tpu.memory_space<vmem>>, vector<256x16xf32>
    %dot_general3A_37 = arith.constant dense<0.000000e+00> : vector<256x4096xf32>
    %dot_general3A_38 = tpu.matmul %get3A_36, %get3A_33, %dot_general3A_37 {dimension_numbers = #tpu.dot_dimension_numbers<[1], [0], [0], [1], [0, 0, 1, 1], [], []>, transpose_lhs_hint = false} : vector<256x16xf32>, vector<16x4096xf32>, vector<256x4096xf32> -> vector<256x4096xf32>
    %mul3A_39 = arith.mulf %get3A_36, %get3A_36 : vector<256x16xf32>
    %reduce_sum3A_40 = arith.constant dense<0.000000e+00> : vector<256xf32>
    %reduce_sum3A_41 = vector.multi_reduction <add>, %mul3A_39, %reduce_sum3A_40 [1] : vector<256x16xf32> to vector<256xf32>
    %broadcast_in_dim3A_42 = vector.shape_cast %reduce_sum3A_41 : vector<256xf32> to vector<256x1xf32>
    %mul3A_43 = arith.constant 5.000000e-01 : f32
    %mul3A_44 = vector.broadcast %mul3A_43 : f32 to vector<256x1xf32>
    %mul3A_45 = arith.mulf %mul3A_44, %broadcast_in_dim3A_42 : vector<256x1xf32>
    %sub3A_46 = vector.broadcast %mul3A_45 : vector<256x1xf32> to vector<256x4096xf32>
    %sub3A_47 = arith.subf %sub3A_46, %dot_general3A_38 : vector<256x4096xf32>
    %argmin3A_48 = tpu.reduce_index %sub3A_27 {axis = 0 : i32, kind = #tpu.reduction_kind<arg_min>} : vector<256x4096xf32> -> vector<4096xi32>
    %broadcast_in_dim3A_49 = vector.shape_cast %argmin3A_48 : vector<4096xi32> to vector<1x4096xi32>
    %add3A_50 = arith.constant 256 : i32
    %add3A_51 = vector.broadcast %add3A_50 : i32 to vector<1x4096xi32>
    %add3A_52 = arith.addi %broadcast_in_dim3A_49, %add3A_51 : vector<1x4096xi32>
    %get3A_53 = arith.constant 48 : index
    %get3A_54 = arith.constant 0 : index
    %get3A_55 = vector.load %arg1[%get3A_53, %get3A_54] : memref<128x4096xf32, #tpu.memory_space<vmem>>, vector<16x4096xf32>
    %get3A_56 = arith.constant 768 : index
    %get3A_57 = arith.constant 0 : index
    %get3A_58 = vector.load %arg2[%get3A_56, %get3A_57] : memref<2048x16xf32, #tpu.memory_space<vmem>>, vector<256x16xf32>
    %dot_general3A_59 = arith.constant dense<0.000000e+00> : vector<256x4096xf32>
    %dot_general3A_60 = tpu.matmul %get3A_58, %get3A_55, %dot_general3A_59 {dimension_numbers = #tpu.dot_dimension_numbers<[1], [0], [0], [1], [0, 0, 1, 1], [], []>, transpose_lhs_hint = false} : vector<256x16xf32>, vector<16x4096xf32>, vector<256x4096xf32> -> vector<256x4096xf32>
    %mul3A_61 = arith.mulf %get3A_58, %get3A_58 : vector<256x16xf32>
    %reduce_sum3A_62 = arith.constant dense<0.000000e+00> : vector<256xf32>
    %reduce_sum3A_63 = vector.multi_reduction <add>, %mul3A_61, %reduce_sum3A_62 [1] : vector<256x16xf32> to vector<256xf32>
    %broadcast_in_dim3A_64 = vector.shape_cast %reduce_sum3A_63 : vector<256xf32> to vector<256x1xf32>
    %mul3A_65 = arith.constant 5.000000e-01 : f32
    %mul3A_66 = vector.broadcast %mul3A_65 : f32 to vector<256x1xf32>
    %mul3A_67 = arith.mulf %mul3A_66, %broadcast_in_dim3A_64 : vector<256x1xf32>
    %sub3A_68 = vector.broadcast %mul3A_67 : vector<256x1xf32> to vector<256x4096xf32>
    %sub3A_69 = arith.subf %sub3A_68, %dot_general3A_60 : vector<256x4096xf32>
    %argmin3A_70 = tpu.reduce_index %sub3A_47 {axis = 0 : i32, kind = #tpu.reduction_kind<arg_min>} : vector<256x4096xf32> -> vector<4096xi32>
    %broadcast_in_dim3A_71 = vector.shape_cast %argmin3A_70 : vector<4096xi32> to vector<1x4096xi32>
    %add3A_72 = arith.constant 512 : i32
    %add3A_73 = vector.broadcast %add3A_72 : i32 to vector<1x4096xi32>
    %add3A_74 = arith.addi %broadcast_in_dim3A_71, %add3A_73 : vector<1x4096xi32>
    %get3A_75 = arith.constant 64 : index
    %get3A_76 = arith.constant 0 : index
    %get3A_77 = vector.load %arg1[%get3A_75, %get3A_76] : memref<128x4096xf32, #tpu.memory_space<vmem>>, vector<16x4096xf32>
    %get3A_78 = arith.constant 1024 : index
    %get3A_79 = arith.constant 0 : index
    %get3A_80 = vector.load %arg2[%get3A_78, %get3A_79] : memref<2048x16xf32, #tpu.memory_space<vmem>>, vector<256x16xf32>
    %dot_general3A_81 = arith.constant dense<0.000000e+00> : vector<256x4096xf32>
    %dot_general3A_82 = tpu.matmul %get3A_80, %get3A_77, %dot_general3A_81 {dimension_numbers = #tpu.dot_dimension_numbers<[1], [0], [0], [1], [0, 0, 1, 1], [], []>, transpose_lhs_hint = false} : vector<256x16xf32>, vector<16x4096xf32>, vector<256x4096xf32> -> vector<256x4096xf32>
    %mul3A_83 = arith.mulf %get3A_80, %get3A_80 : vector<256x16xf32>
    %reduce_sum3A_84 = arith.constant dense<0.000000e+00> : vector<256xf32>
    %reduce_sum3A_85 = vector.multi_reduction <add>, %mul3A_83, %reduce_sum3A_84 [1] : vector<256x16xf32> to vector<256xf32>
    %broadcast_in_dim3A_86 = vector.shape_cast %reduce_sum3A_85 : vector<256xf32> to vector<256x1xf32>
    %mul3A_87 = arith.constant 5.000000e-01 : f32
    %mul3A_88 = vector.broadcast %mul3A_87 : f32 to vector<256x1xf32>
    %mul3A_89 = arith.mulf %mul3A_88, %broadcast_in_dim3A_86 : vector<256x1xf32>
    %sub3A_90 = vector.broadcast %mul3A_89 : vector<256x1xf32> to vector<256x4096xf32>
    %sub3A_91 = arith.subf %sub3A_90, %dot_general3A_82 : vector<256x4096xf32>
    %argmin3A_92 = tpu.reduce_index %sub3A_69 {axis = 0 : i32, kind = #tpu.reduction_kind<arg_min>} : vector<256x4096xf32> -> vector<4096xi32>
    %broadcast_in_dim3A_93 = vector.shape_cast %argmin3A_92 : vector<4096xi32> to vector<1x4096xi32>
    %add3A_94 = arith.constant 768 : i32
    %add3A_95 = vector.broadcast %add3A_94 : i32 to vector<1x4096xi32>
    %add3A_96 = arith.addi %broadcast_in_dim3A_93, %add3A_95 : vector<1x4096xi32>
    %get3A_97 = arith.constant 80 : index
    %get3A_98 = arith.constant 0 : index
    %get3A_99 = vector.load %arg1[%get3A_97, %get3A_98] : memref<128x4096xf32, #tpu.memory_space<vmem>>, vector<16x4096xf32>
    %get3A_100 = arith.constant 1280 : index
    %get3A_101 = arith.constant 0 : index
    %get3A_102 = vector.load %arg2[%get3A_100, %get3A_101] : memref<2048x16xf32, #tpu.memory_space<vmem>>, vector<256x16xf32>
    %dot_general3A_103 = arith.constant dense<0.000000e+00> : vector<256x4096xf32>
    %dot_general3A_104 = tpu.matmul %get3A_102, %get3A_99, %dot_general3A_103 {dimension_numbers = #tpu.dot_dimension_numbers<[1], [0], [0], [1], [0, 0, 1, 1], [], []>, transpose_lhs_hint = false} : vector<256x16xf32>, vector<16x4096xf32>, vector<256x4096xf32> -> vector<256x4096xf32>
    %mul3A_105 = arith.mulf %get3A_102, %get3A_102 : vector<256x16xf32>
    %reduce_sum3A_106 = arith.constant dense<0.000000e+00> : vector<256xf32>
    %reduce_sum3A_107 = vector.multi_reduction <add>, %mul3A_105, %reduce_sum3A_106 [1] : vector<256x16xf32> to vector<256xf32>
    %broadcast_in_dim3A_108 = vector.shape_cast %reduce_sum3A_107 : vector<256xf32> to vector<256x1xf32>
    %mul3A_109 = arith.constant 5.000000e-01 : f32
    %mul3A_110 = vector.broadcast %mul3A_109 : f32 to vector<256x1xf32>
    %mul3A_111 = arith.mulf %mul3A_110, %broadcast_in_dim3A_108 : vector<256x1xf32>
    %sub3A_112 = vector.broadcast %mul3A_111 : vector<256x1xf32> to vector<256x4096xf32>
    %sub3A_113 = arith.subf %sub3A_112, %dot_general3A_104 : vector<256x4096xf32>
    %argmin3A_114 = tpu.reduce_index %sub3A_91 {axis = 0 : i32, kind = #tpu.reduction_kind<arg_min>} : vector<256x4096xf32> -> vector<4096xi32>
    %broadcast_in_dim3A_115 = vector.shape_cast %argmin3A_114 : vector<4096xi32> to vector<1x4096xi32>
    %add3A_116 = arith.constant 1024 : i32
    %add3A_117 = vector.broadcast %add3A_116 : i32 to vector<1x4096xi32>
    %add3A_118 = arith.addi %broadcast_in_dim3A_115, %add3A_117 : vector<1x4096xi32>
    %get3A_119 = arith.constant 96 : index
    %get3A_120 = arith.constant 0 : index
    %get3A_121 = vector.load %arg1[%get3A_119, %get3A_120] : memref<128x4096xf32, #tpu.memory_space<vmem>>, vector<16x4096xf32>
    %get3A_122 = arith.constant 1536 : index
    %get3A_123 = arith.constant 0 : index
    %get3A_124 = vector.load %arg2[%get3A_122, %get3A_123] : memref<2048x16xf32, #tpu.memory_space<vmem>>, vector<256x16xf32>
    %dot_general3A_125 = arith.constant dense<0.000000e+00> : vector<256x4096xf32>
    %dot_general3A_126 = tpu.matmul %get3A_124, %get3A_121, %dot_general3A_125 {dimension_numbers = #tpu.dot_dimension_numbers<[1], [0], [0], [1], [0, 0, 1, 1], [], []>, transpose_lhs_hint = false} : vector<256x16xf32>, vector<16x4096xf32>, vector<256x4096xf32> -> vector<256x4096xf32>
    %mul3A_127 = arith.mulf %get3A_124, %get3A_124 : vector<256x16xf32>
    %reduce_sum3A_128 = arith.constant dense<0.000000e+00> : vector<256xf32>
    %reduce_sum3A_129 = vector.multi_reduction <add>, %mul3A_127, %reduce_sum3A_128 [1] : vector<256x16xf32> to vector<256xf32>
    %broadcast_in_dim3A_130 = vector.shape_cast %reduce_sum3A_129 : vector<256xf32> to vector<256x1xf32>
    %mul3A_131 = arith.constant 5.000000e-01 : f32
    %mul3A_132 = vector.broadcast %mul3A_131 : f32 to vector<256x1xf32>
    %mul3A_133 = arith.mulf %mul3A_132, %broadcast_in_dim3A_130 : vector<256x1xf32>
    %sub3A_134 = vector.broadcast %mul3A_133 : vector<256x1xf32> to vector<256x4096xf32>
    %sub3A_135 = arith.subf %sub3A_134, %dot_general3A_126 : vector<256x4096xf32>
    %argmin3A_136 = tpu.reduce_index %sub3A_113 {axis = 0 : i32, kind = #tpu.reduction_kind<arg_min>} : vector<256x4096xf32> -> vector<4096xi32>
    %broadcast_in_dim3A_137 = vector.shape_cast %argmin3A_136 : vector<4096xi32> to vector<1x4096xi32>
    %add3A_138 = arith.constant 1280 : i32
    %add3A_139 = vector.broadcast %add3A_138 : i32 to vector<1x4096xi32>
    %add3A_140 = arith.addi %broadcast_in_dim3A_137, %add3A_139 : vector<1x4096xi32>
    %get3A_141 = arith.constant 112 : index
    %get3A_142 = arith.constant 0 : index
    %get3A_143 = vector.load %arg1[%get3A_141, %get3A_142] : memref<128x4096xf32, #tpu.memory_space<vmem>>, vector<16x4096xf32>
    %get3A_144 = arith.constant 1792 : index
    %get3A_145 = arith.constant 0 : index
    %get3A_146 = vector.load %arg2[%get3A_144, %get3A_145] : memref<2048x16xf32, #tpu.memory_space<vmem>>, vector<256x16xf32>
    %dot_general3A_147 = arith.constant dense<0.000000e+00> : vector<256x4096xf32>
    %dot_general3A_148 = tpu.matmul %get3A_146, %get3A_143, %dot_general3A_147 {dimension_numbers = #tpu.dot_dimension_numbers<[1], [0], [0], [1], [0, 0, 1, 1], [], []>, transpose_lhs_hint = false} : vector<256x16xf32>, vector<16x4096xf32>, vector<256x4096xf32> -> vector<256x4096xf32>
    %mul3A_149 = arith.mulf %get3A_146, %get3A_146 : vector<256x16xf32>
    %reduce_sum3A_150 = arith.constant dense<0.000000e+00> : vector<256xf32>
    %reduce_sum3A_151 = vector.multi_reduction <add>, %mul3A_149, %reduce_sum3A_150 [1] : vector<256x16xf32> to vector<256xf32>
    %broadcast_in_dim3A_152 = vector.shape_cast %reduce_sum3A_151 : vector<256xf32> to vector<256x1xf32>
    %mul3A_153 = arith.constant 5.000000e-01 : f32
    %mul3A_154 = vector.broadcast %mul3A_153 : f32 to vector<256x1xf32>
    %mul3A_155 = arith.mulf %mul3A_154, %broadcast_in_dim3A_152 : vector<256x1xf32>
    %sub3A_156 = vector.broadcast %mul3A_155 : vector<256x1xf32> to vector<256x4096xf32>
    %sub3A_157 = arith.subf %sub3A_156, %dot_general3A_148 : vector<256x4096xf32>
    %argmin3A_158 = tpu.reduce_index %sub3A_135 {axis = 0 : i32, kind = #tpu.reduction_kind<arg_min>} : vector<256x4096xf32> -> vector<4096xi32>
    %broadcast_in_dim3A_159 = vector.shape_cast %argmin3A_158 : vector<4096xi32> to vector<1x4096xi32>
    %add3A_160 = arith.constant 1536 : i32
    %add3A_161 = vector.broadcast %add3A_160 : i32 to vector<1x4096xi32>
    %add3A_162 = arith.addi %broadcast_in_dim3A_159, %add3A_161 : vector<1x4096xi32>
    %argmin3A_163 = tpu.reduce_index %sub3A_157 {axis = 0 : i32, kind = #tpu.reduction_kind<arg_min>} : vector<256x4096xf32> -> vector<4096xi32>
    %broadcast_in_dim3A_164 = vector.shape_cast %argmin3A_163 : vector<4096xi32> to vector<1x4096xi32>
    %add3A_165 = arith.constant 1792 : i32
    %add3A_166 = vector.broadcast %add3A_165 : i32 to vector<1x4096xi32>
    %add3A_167 = arith.addi %broadcast_in_dim3A_164, %add3A_166 : vector<1x4096xi32>
    %concatenate3A = tpu.concatenate %add3A_30, %add3A_52, %add3A_74, %add3A_96, %add3A_118, %add3A_140, %add3A_162, %add3A_167 in 0 : vector<1x4096xi32>, vector<1x4096xi32>, vector<1x4096xi32>, vector<1x4096xi32>, vector<1x4096xi32>, vector<1x4096xi32>, vector<1x4096xi32>, vector<1x4096xi32> -> vector<8x4096xi32>
    %swap3A = arith.constant 0 : index
    %swap3A_168 = arith.constant 0 : index
    %swap3A_169 = vector.load %arg3[%swap3A, %swap3A_168] : memref<8x4096xi32, #tpu.memory_space<vmem>>, vector<8x4096xi32>
    tpu.vector_store %arg3[%swap3A, %swap3A_168], %concatenate3A {strides = array<i32>} : memref<8x4096xi32, #tpu.memory_space<vmem>>, vector<8x4096xi32>,
    return
  }
  func.func @transform_0(%arg0: i32) -> (i32, i32) {
    %c0_i32 = arith.constant 0 : i32
    %c0_i32_0 = arith.constant 0 : i32
    return %c0_i32, %arg0 : i32, i32
  }
  func.func @transform_1(%arg0: i32) -> (i32, i32) {
    %c0_i32 = arith.constant 0 : i32
    %c0_i32_0 = arith.constant 0 : i32
    %c0_i32_1 = arith.constant 0 : i32
    return %c0_i32, %c0_i32_0 : i32, i32
  }
  func.func @transform_2(%arg0: i32) -> (i32, i32) {
    %c0_i32 = arith.constant 0 : i32
    %c0_i32_0 = arith.constant 0 : i32
    return %c0_i32, %arg0 : i32, i32
  }
}

</mosaic_0001>

<sc_bundles>
// kernel: kernel.4.cloned.1.call-start
scs
__scs_entry_jumppad:
0x0: {  	(pc) =	sbr.rel $0x88, $3  }
0x1: {  	(tag) =	ssettag $0x0;
	lr =	simm.s32 $0x1  }
0x2: {  	[smem:$0x3F9F] =	sst lr;
	_ =	strace $0xD0000000  }
0x3: {  	_ = 	snop  }
0x4: {  	_ = 	snop  }
0x5: {  	_ = 	snop  }
0x6: {  	_ = 	snop  }
0x7: {  	_ = 	snop  }
__scs_overlays_trampoline_lowered:
0x8: {  	[smem:$0x3FAE] =	sst s0  }
0x9: {  	[smem:$0x3FAF] =	sst s1  }
0xa: {  	[smem:$0x3FB0] =	sst s2  }
0xb: {  	[smem:$0x3FB1] =	sst s3  }
0xc: {  	[smem:$0x3FB2] =	sst s4  }
0xd: {  	[smem:$0x3FB3] =	sst s5  }
0xe: {  	[smem:$0x3FB4] =	sst s6  }
0xf: {  	[smem:$0x3FB5] =	sst s7  }
0x10: {  	[smem:$0x3FB6] =	sst s8  }
0x11: {  	[smem:$0x3FB7] =	sst s9;
	s0 =	simm.s32 @!p0 $0x0  }
0x12: {  	s1 =	sld [smem:$0x3F9D];
	s0 =	simm.s32 @p0 $0x1  }
0x13: {  	[smem:$0x3FB8] =	sst s0;
	s0 =	simm.s32 @!p1 $0x0  }
0x14: {  	s2 =	sld [smem:$0x3F9C];
	s0 =	simm.s32 @p1 $0x1  }
0x15: {  	[smem:$0x3FB9] =	sst s0;
	s0 =	simm.s32 @!p2 $0x0  }
0x16: {  	s3 =	sld [smem:$0x3FDB];
	s0 =	simm.s32 @p2 $0x1  }
0x17: {  	s4 =	simm.s32 $0x1BF5;
	[smem:$0x3FBB] =	sst s0  }
0x18: {  	s0 =	sld [smem:$0x3F9E];
	_ =	swait.ge [sflag:s4], $0x0  }
0x19: {  	s7 =	sld [smem:$0x3F9F]  }
0x1a: {  	s8 =	sadd.s32 $0xFFFFE003, lr  }
0x1b: {  	s9 =	sadd.s32 $0xFFFFFEF7, lr;
	s5 =	simm.s32 $0xFFFFFFFF;
	p2 =	slt.u32 s8, $0xFFFFF086  }
0x1c: {  	p1 =	slt.u32 s9, $0xF7A;
	s5 =	simm.s32 @!p2 $0x0  }
0x1d: {  	s5 =	simm.s32 @p1 $0x1;
	p0 =	seq.s32 s7, s2  }
0x1e: {  	s7 =	smul.u32 @!p0 $0xF7A, s2;
	p2 =	seq.s32 @!p0 s5, $0x0  }
0x1f: {  	s9 =	smul.u32 $0xF7A, s1;
	s8 =	simm.s32 @!p0 $0x1BF5;
	p2 =	por !p2, p0  }
0x20: {  	[sflag:s8] =	ssyncset.s32 @!p0 $0xFFFFF086;
	s6 =	sadd.s32 @!p0 s3, s7;
	s7 =	simm.s32 @!p0 $0x108  }
0x21: {  	s3 =	sadd.s32 s3, s9;
	s6 =	sadd.s32 @!p0 $0x88, s6;
	s7 =	simm.s32 @p2 $0x1082  }
0x22: {  	[simem:s7], [sflag:s8] =	dma.local @!p0 [hbm:s6], $0xF7A  }
0x23: {  	s9 =	sor.u32 $0xD0000000, s2;
	s6 =	simm.s32 $0x108;
	_ =	swait.ge @!p0 [sflag:s8], $0x0  }
0x24: {  	s3 =	sadd.s32 $0x88, s3;
	s6 =	simm.s32 @!p1 $0x1082;
	[sflag:s4] =	ssyncset.s32 $0xFFFFF086  }
0x25: {  	[simem:s6], [sflag:s4] =	dma.local [hbm:s3], $0xF7A  }
0x26: {  	[smem:$0x3F9F] =	sst s1;
	(tag) =	ssettag s2;
	_ =	strace s9  }
0x27: {  	s1 =	sld [smem:$0x3FAF]  }
0x28: {  	s2 =	sld [smem:$0x3FB0]  }
0x29: {  	s4 =	sld [smem:$0x3FB2]  }
0x2a: {  	p0 =	seq.s32 s5, $0x0;
	s5 =	sld [smem:$0x3FB3]  }
0x2b: {  	s6 =	sld [smem:$0x3FB4]  }
0x2c: {  	s7 =	sld [smem:$0x3FB5]  }
0x2d: {  	s3 =	simm.s32 $0x108;
	s8 =	sld [smem:$0x3FB6]  }
0x2e: {  	s3 =	simm.s32 @!p0 $0x1082;
	s9 =	sld [smem:$0x3FB7]  }
0x2f: {  	lr =	sadd.s32 s0, s3;
	s0 =	sld [smem:$0x3FAE]  }
0x30: {  	s3 =	sld [smem:$0x3FB1]  }
0x31: {  	[smem:$0x3FBA] =	sst s10  }
0x32: {  	s10 =	sld [smem:$0x3FB8];
	_ =	sdelay $0x3  }
0x33: {  	p0 =	seq.s32 s10, $0x1;
	s10 =	sld [smem:$0x3FBA];
	_ =	sdelay $0x3  }
0x34: {  	[smem:$0x3FBA] =	sst s10  }
0x35: {  	s10 =	sld [smem:$0x3FB9];
	_ =	sdelay $0x3  }
0x36: {  	p1 =	seq.s32 s10, $0x1;
	s10 =	sld [smem:$0x3FBA];
	_ =	sdelay $0x3  }
0x37: {  	[smem:$0x3FBA] =	sst s10  }
0x38: {  	s10 =	sld [smem:$0x3FBB]  }
0x39: {  	_ = 	snop;
	(pc) =	sbr.ind lr, $3  }
0x3a: {  	_ = 	snop  }
0x3b: {  	_ = 	snop  }
0x3c: {  	p2 =	seq.s32 s10, $0x1;
	s10 =	sld [smem:$0x3FBA]  }
0x3d: {  	_ =	shalt  }
0x3e: {  	_ =	shalt  }
0x3f: {  	_ =	shalt  }
0x40: {  	_ =	shalt  }
0x41: {  	_ =	shalt  }
0x42: {  	_ =	shalt  }
0x43: {  	_ =	shalt  }
0x44: {  	_ =	shalt  }
0x45: {  	_ =	shalt  }
0x46: {  	_ =	shalt  }
0x47: {  	_ =	shalt  }
0x48: {  	_ =	shalt  }
0x49: {  	_ =	shalt  }
0x4a: {  	_ =	shalt  }
0x4b: {  	_ =	shalt  }
0x4c: {  	_ =	shalt  }
0x4d: {  	_ =	shalt  }
0x4e: {  	_ =	shalt  }
0x4f: {  	_ =	shalt  }
0x50: {  	_ =	shalt  }
0x51: {  	_ =	shalt  }
0x52: {  	_ =	shalt  }
0x53: {  	_ =	shalt  }
0x54: {  	_ =	shalt  }
0x55: {  	_ =	shalt  }
0x56: {  	_ =	shalt  }
0x57: {  	_ =	shalt  }
0x58: {  	_ =	shalt  }
0x59: {  	_ =	shalt  }
0x5a: {  	_ =	shalt  }
0x5b: {  	_ =	shalt  }
0x5c: {  	_ =	shalt  }
0x5d: {  	_ =	shalt  }
0x5e: {  	_ =	shalt  }
0x5f: {  	_ =	shalt  }
0x60: {  	_ =	shalt  }
0x61: {  	_ =	shalt  }
0x62: {  	_ =	shalt  }
0x63: {  	_ =	shalt  }
0x64: {  	_ =	shalt  }
0x65: {  	_ =	shalt  }
0x66: {  	_ =	shalt  }
0x67: {  	_ =	shalt  }
0x68: {  	_ =	shalt  }
0x69: {  	_ =	shalt  }
0x6a: {  	_ =	shalt  }
0x6b: {  	_ =	shalt  }
0x6c: {  	_ =	shalt  }
0x6d: {  	_ =	shalt  }
0x6e: {  	_ =	shalt  }
0x6f: {  	_ =	shalt  }
0x70: {  	_ =	shalt  }
0x71: {  	_ =	shalt  }
0x72: {  	_ =	shalt  }
0x73: {  	_ =	shalt  }
0x74: {  	_ =	shalt  }
0x75: {  	_ =	shalt  }
0x76: {  	_ =	shalt  }
0x77: {  	_ =	shalt  }
0x78: {  	_ =	shalt  }
0x79: {  	_ =	shalt  }
0x7a: {  	_ =	shalt  }
0x7b: {  	_ =	shalt  }
0x7c: {  	_ =	shalt  }
0x7d: {  	_ =	shalt  }
0x7e: {  	_ =	shalt  }
0x7f: {  	_ =	shalt  }
0x80: {  	_ =	shalt  }
0x81: {  	_ =	shalt  }
0x82: {  	_ =	shalt  }
0x83: {  	_ =	shalt  }
0x84: {  	_ =	shalt  }
0x85: {  	_ =	shalt  }
0x86: {  	_ =	shalt  }
0x87: {  	_ =	shalt  }
.Lfunc_end0:
.L_simem_size_0:
called_computation_lowered:
.L_overlay_start_0:
0x88: {  	s2 =	sld [smem:$0x3FD9]  }
0x89: {  	s3 =	sld [smem:$0x3FFE];
	_ =	sdelay $0x1  }
0x8a: {  	s1 =	srdreg.scid  }
0x8b: {  	s0 =	sand.u32 $0x1, s1  }
0x8c: {  	s17 =	sshll.u32 s0, $0xA;
	s2 =	sadd.s32 s3, s2  }
0x8d: {  	s2 =	sadd.s32 s2, s17  }
0x8e: {  	[smem:$0x3FC6] =	sst s2  }
0x8f: {  	_ = 	snop  }
0x90: {  	s2 =	sld [smem:$0x3FD0];
	(tm) =	ssettm $0x1  }
0x91: {  	s18 =	sld [smem:$0x3FFB];
	_ =	sdelay $0x3  }
0x92: {  	_ =	strace s18  }
0x93: {  	s3 =	sld [smem:$0x3FFC];
	_ =	sdelay $0x3  }
0x94: {  	_ =	strace s3  }
0x95: {  	s3 =	sld [smem:$0x3FFD];
	_ =	sdelay $0x3  }
0x96: {  	_ =	strace s3  }
0x97: {  	_ =	strace $0x8FFFFFFF  }
0x98: {  	s19 =	sld [smem:$0x3FDB];
	_ =	sdelay $0x1  }
0x99: {  	s4 =	simm.s32 $_scs_section_size  }
0x9a: {  	s5 =	simm.s32 $_size__tile_overlayer_lowered;
	s6 =	simm.s32 $_tile_overlayer_lowered  }
0x9b: {  	s22 =	simm.s32 $0x1BFF;
	s21 =	sshll.u32 s6, $0x1;
	s3 =	sadd.s32 s4, s19  }
0x9c: {  	s7 =	simm.s32 $0x0;
	s20 =	sshll.u32 s5, $0x1;
	s5 =	sadd.s32 s21, s3  }
0x9d: {  	[timem:s7], [sflag:s22] =	dma.local [hbm:s5], s20  }
0x9e: {  	_ =	swait.ge [sflag:s22], s20  }
0x9f: {  	s4 =	ssub.s32 $0x0, s20;
	[sflag:s22] =	ssyncset.done $0x0  }
0xa0: {  	[sflag:s22] =	ssyncadd.s32 s4;
	_ =	sdelay $0x1  }
0xa1: {  	s23 =	simm.s32 $0x1B8B  }
0xa2: {  	_ =	swait.ge [sflag:s23], $0x1  }
0xa3: {  	[sflag:s23] =	ssyncset.done $0x0  }
0xa4: {  	s25 =	simm.s32 $0x1B8E;
	s24 =	sld [smem:$0x3FFE];
	[sflag:s23] =	ssyncadd.s32 $0xFFFFFFFF  }
0xa5: {  	s26 =	simm.s32 $execute0_lowered;
	[smem:$0x3FD2] =	sst s25  }
0xa6: {  	s5 =	sshll.u32 s26, $0x1;
	_ =	strace $0x80000046;
	[dreg:$0x1] =	wrdreg $0xFFFFFFFF  }
0xa7: {  	s28 =	simm.s32 $_size_execute0_lowered;
	s3 =	sadd.s32 s3, s5;
	[dreg:$0x0] =	wrdreg $0x0  }
0xa8: {  	s5 =	sshll.u32 s28, $0x1;
	[dreg:$0x2] =	wrdreg s3  }
0xa9: {  	[dreg:$0x3] =	wrdreg s5  }
0xaa: {  	[dreg:$0x4] =	wrdreg $0xC0  }
0xab: {  	_ =	task [dreg:s7], $0x5FFFF  }
0xac: {  	[dreg:$0x1] =	wrdreg $0xFFFFFFFF  }
0xad: {  	[dreg:$0x0] =	wrdreg $0x60  }
0xae: {  	[dreg:$0x2] =	wrdreg s24  }
0xaf: {  	[dreg:$0x3] =	wrdreg s2  }
0xb0: {  	[dreg:$0x4] =	wrdreg $0x9  }
0xb1: {  	_ =	task.clear_ibuf [dreg:s7], $0x5FFFF;
	_ =	strace $0x90000046  }
0xb2: {  	s29 =	simm.s32 $0x9;
	_ =	strace $0x80000048  }
0xb3: {  	_ =	swait.ge [sflag:s29], $0x1  }
0xb4: {  	[sflag:s29] =	ssyncadd.s32 $0xFFFFFFFF  }
0xb5: {  	_ =	strace $0x90000048  }
0xb6: {  	_ =	sfence  }
0xb7: {  	s30 =	sld [smem:$0x0];
	_ =	sdelay $0x2  }
0xb8: {  	s31 =	sshll.u32 s1, $0xD;
	s1 =	sshrl.u32 s1, $0x2  }
0xb9: {  	s3 =	sand.u32 $0x4000, s31;
	s1 =	sadd.s32 s1, s30  }
0xba: {  	s0 =	sor.u32 s3, s0;
	s1 =	sshll.u32 s1, $0x11  }
0xbb: {  	s0 =	sor.u32 s1, s0  }
0xbc: {  	s0 =	sadd.s32 $0x8F2B, s0  }
0xbd: {  	[sflag:s0] =	ssyncadd.remote.s32 $0x1  }
0xbe: {  	_ =	sfence.sel $0xFFFF  }
0xbf: {  	[dreg:$0x0] =	wrdreg $0xFFFFFFFF;
	(pc) =	sbr.abs _section_cstart, $3  }
0xc0: {  	[dreg:$0x1] =	wrdreg $0xFFFFFFFF  }
0xc1: {  	_ =	task.clear_ibuf [dreg:s7], $0x2FFFF;
	_ =	strace $0x9FFFFFFF  }
0xc2: {  	(tm) =	ssettm $0x7FFFFFFF  }
0xc3: {  	_ =	shalt  }
tec
execute0_lowered:
.L_overlay_start_1:
0x0: {  	(tag) =	ssettag $0x1  }
0x1: {  	s1 =	srdreg.scid  }
0x2: {  	s5 =	rddreg [dreg:$0x0];
	s0 =	stileid.u32;
	s15 =	sand.u32 $0x1, s1  }
0x3: {  	s14 =	rddreg [dreg:$0x1];
	s3 =	sshll.u32 s0, $0xE;
	s4 =	sshll.u32 s15, $0xD  }
0x4: {  	s2 =	simm.s32 $0x0;
	s1 =	rddreg [dreg:$0x2];
	s13 =	sor.u32 s4, s3  }
0x5: {  	[smem:$0x7FF] =	sst s2;
	s16 =	sadd.s32 $0x1400, s5;
	s3 =	sshrl.u32 s13, $0x3  }
0x6: {  	_ =	strace $0x80000047;
	s4 =	sadd.s32 s16, s3;
	s3 =	simm.s32 $0x2  }
0x7: {  	[tilespmem:s2], [sflag:$0x2] =	stream.linear.gather [hbm4b:s4+s2], $0x800, $0x38;
	[tilespmem:$0x8800] =	vst v63  }
0x8: {  	_ =	swait.ge [sflag:s3], $0x800  }
0x9: {  	s6 =	simm.s32 $0x800;
	[sflag:s3] =	ssyncset.done $0x0  }
0xa: {  	s7 =	simm.s32 $0x1;
	s5 =	sadd.s32 $0x400, s5;
	[sflag:s3] =	ssyncadd.s32 $0xFFFFF800  }
0xb: {  	[tilespmem:s6], [sflag:$0x1] =	stream.indirect.gather [hbm4b:s5+s6], $0x10, s2, s6, $0xb8;
	[tilespmem:$0x8800] =	vst v63  }
0xc: {  	_ =	swait.ge [sflag:s7], $0x8000  }
0xd: {  	s8 =	sshll.u32 s13, $0x1;
	[sflag:s7] =	ssyncset.done $0x0  }
0xe: {  	s8 =	sadd.s32 s14, s8;
	[sflag:s7] =	ssyncadd.s32 $0xFFFF8000  }
0xf: {  	[hbm4b:s8+s2] =	stream.linear.scatter [tilespmem:s6], [sflag:$0x2], $0x8000, $0x38;
	[tilespmem:$0x8800] =	vst v63  }
0x10: {  	s10 =	sor.u32 $0x800, s13;
	_ =	swait.ge [sflag:s3], $0x8000  }
0x11: {  	s9 =	sshrl.u32 s10, $0x3;
	[sflag:s3] =	ssyncset.done $0x0  }
0x12: {  	s9 =	sadd.s32 s16, s9;
	[sflag:s3] =	ssyncadd.s32 $0xFFFF8000  }
0x13: {  	[tilespmem:s2], [sflag:$0x2] =	stream.linear.gather [hbm4b:s9+s2], $0x800, $0x38;
	[tilespmem:$0x8800] =	vst v63  }
0x14: {  	_ =	swait.ge [sflag:s3], $0x800  }
0x15: {  	[sflag:s3] =	ssyncset.done $0x0  }
0x16: {  	[sflag:s3] =	ssyncadd.s32 $0xFFFFF800  }
0x17: {  	[tilespmem:s6], [sflag:$0x1] =	stream.indirect.gather [hbm4b:s5+s6], $0x10, s2, s6, $0xb8;
	[tilespmem:$0x8800] =	vst v63  }
0x18: {  	_ =	swait.ge [sflag:s7], $0x8000  }
0x19: {  	s10 =	sshll.u32 s10, $0x1;
	[sflag:s7] =	ssyncset.done $0x0  }
0x1a: {  	s10 =	sadd.s32 s14, s10;
	[sflag:s7] =	ssyncadd.s32 $0xFFFF8000  }
0x1b: {  	[hbm4b:s10+s2] =	stream.linear.scatter [tilespmem:s6], [sflag:$0x2], $0x8000, $0x38;
	[tilespmem:$0x8800] =	vst v63  }
0x1c: {  	s12 =	sor.u32 $0x1000, s13;
	_ =	swait.ge [sflag:s3], $0x8000  }
0x1d: {  	s11 =	sshrl.u32 s12, $0x3;
	[sflag:s3] =	ssyncset.done $0x0  }
0x1e: {  	s11 =	sadd.s32 s16, s11;
	[sflag:s3] =	ssyncadd.s32 $0xFFFF8000  }
0x1f: {  	[tilespmem:s2], [sflag:$0x2] =	stream.linear.gather [hbm4b:s11+s2], $0x800, $0x38;
	[tilespmem:$0x8800] =	vst v63  }
0x20: {  	_ =	swait.ge [sflag:s3], $0x800  }
0x21: {  	[sflag:s3] =	ssyncset.done $0x0  }
0x22: {  	[sflag:s3] =	ssyncadd.s32 $0xFFFFF800  }
0x23: {  	[tilespmem:s6], [sflag:$0x1] =	stream.indirect.gather [hbm4b:s5+s6], $0x10, s2, s6, $0xb8;
	[tilespmem:$0x8800] =	vst v63  }
0x24: {  	_ =	swait.ge [sflag:s7], $0x8000  }
0x25: {  	s12 =	sshll.u32 s12, $0x1;
	[sflag:s7] =	ssyncset.done $0x0  }
0x26: {  	s12 =	sadd.s32 s14, s12;
	[sflag:s7] =	ssyncadd.s32 $0xFFFF8000  }
0x27: {  	[hbm4b:s12+s2] =	stream.linear.scatter [tilespmem:s6], [sflag:$0x2], $0x8000, $0x38;
	[tilespmem:$0x8800] =	vst v63  }
0x28: {  	s17 =	sor.u32 $0x1800, s13;
	_ =	swait.ge [sflag:s3], $0x8000  }
0x29: {  	s13 =	sshrl.u32 s17, $0x3;
	[sflag:s3] =	ssyncset.done $0x0  }
0x2a: {  	s15 =	ssub.s32 $0x2, s15;
	s13 =	sadd.s32 s16, s13;
	[sflag:s3] =	ssyncadd.s32 $0xFFFF8000  }
0x2b: {  	[tilespmem:s2], [sflag:$0x2] =	stream.linear.gather [hbm4b:s13+s2], $0x800, $0x38;
	[tilespmem:$0x8800] =	vst v63  }
0x2c: {  	s30 =	sshrl.u32 s15, $0x1;
	_ =	swait.ge [sflag:s3], $0x800  }
0x2d: {  	s15 =	ssub.s32 s15, s30;
	[sflag:s3] =	ssyncset.done $0x0  }
0x2e: {  	s15 =	smax.u32 s15, $0x1;
	[sflag:s3] =	ssyncadd.s32 $0xFFFFF800  }
0x2f: {  	[tilespmem:s6], [sflag:$0x1] =	stream.indirect.gather [hbm4b:s5+s6], $0x10, s2, s6, $0xb8;
	[tilespmem:$0x8800] =	vst v63  }
0x30: {  	p0 =	sne.s32 s15, $0x1;
	_ =	swait.ge [sflag:s7], $0x8000  }
.Ltmp0:
0x31: {  	s31 =	sshll.u32 s17, $0x1;
	[sflag:s7] =	ssyncset.done $0x0;
	(pc) =	sbr.rel @!p0 .LBB2_2-.Ltmp0, $4  }
0x32: {  	s14 =	sadd.s32 s14, s31;
	[sflag:s7] =	ssyncadd.s32 $0xFFFF8000  }
0x33: {  	[hbm4b:s14+s2] =	stream.linear.scatter [tilespmem:s6], [sflag:$0x2], $0x8000, $0x38;
	[tilespmem:$0x8800] =	vst v63  }
0x34: {  	_ =	swait.ge [sflag:s3], $0x8000  }
0x35: {  	s15 =	sadd.s32 $0xFFFFFFFF, s15;
	[sflag:s3] =	ssyncset.done $0x0  }
.LBB2_1:
0x36: {  	p0 =	sne.s32 s15, $0x1;
	s15 =	sadd.s32 $0xFFFFFFFF, s15;
	[sflag:s3] =	ssyncadd.s32 $0xFFFF8000  }
0x37: {  	[tilespmem:s2], [sflag:$0x2] =	stream.linear.gather [hbm4b:s4+s2], $0x800, $0x38;
	[tilespmem:$0x8800] =	vst v63  }
0x38: {  	_ =	swait.ge [sflag:s3], $0x800  }
0x39: {  	[sflag:s3] =	ssyncset.done $0x0  }
0x3a: {  	[sflag:s3] =	ssyncadd.s32 $0xFFFFF800  }
0x3b: {  	[tilespmem:s6], [sflag:$0x1] =	stream.indirect.gather [hbm4b:s5+s6], $0x10, s2, s6, $0xb8;
	[tilespmem:$0x8800] =	vst v63  }
0x3c: {  	_ =	swait.ge [sflag:s7], $0x8000  }
0x3d: {  	[sflag:s7] =	ssyncset.done $0x0  }
0x3e: {  	[sflag:s7] =	ssyncadd.s32 $0xFFFF8000  }
0x3f: {  	[hbm4b:s8+s2] =	stream.linear.scatter [tilespmem:s6], [sflag:$0x2], $0x8000, $0x38;
	[tilespmem:$0x8800] =	vst v63  }
0x40: {  	_ =	swait.ge [sflag:s3], $0x8000  }
0x41: {  	[sflag:s3] =	ssyncset.done $0x0  }
0x42: {  	[sflag:s3] =	ssyncadd.s32 $0xFFFF8000  }
0x43: {  	[tilespmem:s2], [sflag:$0x2] =	stream.linear.gather [hbm4b:s9+s2], $0x800, $0x38;
	[tilespmem:$0x8800] =	vst v63  }
0x44: {  	_ =	swait.ge [sflag:s3], $0x800  }
0x45: {  	[sflag:s3] =	ssyncset.done $0x0  }
0x46: {  	[sflag:s3] =	ssyncadd.s32 $0xFFFFF800  }
0x47: {  	[tilespmem:s6], [sflag:$0x1] =	stream.indirect.gather [hbm4b:s5+s6], $0x10, s2, s6, $0xb8;
	[tilespmem:$0x8800] =	vst v63  }
0x48: {  	_ =	swait.ge [sflag:s7], $0x8000  }
0x49: {  	[sflag:s7] =	ssyncset.done $0x0  }
0x4a: {  	[sflag:s7] =	ssyncadd.s32 $0xFFFF8000  }
0x4b: {  	[hbm4b:s10+s2] =	stream.linear.scatter [tilespmem:s6], [sflag:$0x2], $0x8000, $0x38;
	[tilespmem:$0x8800] =	vst v63  }
0x4c: {  	_ =	swait.ge [sflag:s3], $0x8000  }
0x4d: {  	[sflag:s3] =	ssyncset.done $0x0  }
0x4e: {  	[sflag:s3] =	ssyncadd.s32 $0xFFFF8000  }
0x4f: {  	[tilespmem:s2], [sflag:$0x2] =	stream.linear.gather [hbm4b:s11+s2], $0x800, $0x38;
	[tilespmem:$0x8800] =	vst v63  }
0x50: {  	_ =	swait.ge [sflag:s3], $0x800  }
0x51: {  	[sflag:s3] =	ssyncset.done $0x0  }
0x52: {  	[sflag:s3] =	ssyncadd.s32 $0xFFFFF800  }
0x53: {  	[tilespmem:s6], [sflag:$0x1] =	stream.indirect.gather [hbm4b:s5+s6], $0x10, s2, s6, $0xb8;
	[tilespmem:$0x8800] =	vst v63  }
0x54: {  	_ =	swait.ge [sflag:s7], $0x8000  }
0x55: {  	[sflag:s7] =	ssyncset.done $0x0  }
0x56: {  	[sflag:s7] =	ssyncadd.s32 $0xFFFF8000  }
0x57: {  	[hbm4b:s12+s2] =	stream.linear.scatter [tilespmem:s6], [sflag:$0x2], $0x8000, $0x38;
	[tilespmem:$0x8800] =	vst v63  }
0x58: {  	_ =	swait.ge [sflag:s3], $0x8000  }
0x59: {  	[sflag:s3] =	ssyncset.done $0x0  }
0x5a: {  	[sflag:s3] =	ssyncadd.s32 $0xFFFF8000  }
0x5b: {  	[tilespmem:s2], [sflag:$0x2] =	stream.linear.gather [hbm4b:s13+s2], $0x800, $0x38;
	[tilespmem:$0x8800] =	vst v63  }
0x5c: {  	_ =	swait.ge [sflag:s3], $0x800  }
0x5d: {  	[sflag:s3] =	ssyncset.done $0x0  }
0x5e: {  	[sflag:s3] =	ssyncadd.s32 $0xFFFFF800  }
0x5f: {  	[tilespmem:s6], [sflag:$0x1] =	stream.indirect.gather [hbm4b:s5+s6], $0x10, s2, s6, $0xb8;
	[tilespmem:$0x8800] =	vst v63  }
0x60: {  	_ =	swait.ge [sflag:s7], $0x8000  }
.Ltmp1:
0x61: {  	[sflag:s7] =	ssyncset.done $0x0;
	(pc) =	sbr.rel @p0 .LBB2_1-.Ltmp1, $4  }
0x62: {  	[sflag:s7] =	ssyncadd.s32 $0xFFFF8000  }
0x63: {  	[hbm4b:s14+s2] =	stream.linear.scatter [tilespmem:s6], [sflag:$0x2], $0x8000, $0x38;
	[tilespmem:$0x8800] =	vst v63  }
0x64: {  	_ =	swait.ge [sflag:s3], $0x8000  }
0x65: {  	[sflag:s3] =	ssyncset.done $0x0  }
.LBB2_2:
0x66: {  	[sflag:s3] =	ssyncadd.s32 $0xFFFF8000  }
0x67: {  	_ =	sfence.sel $0x180000  }
0x68: {  	[bflag:$0x0] =	sbarrier.arrive $0xFFFF  }
0x69: {  	p0 =	sne.s32 s0, $0x0;
	_ =	strace $0x90000047  }
0x6a: {  	s0 =	sadd.s32 @!p0 $0x100000, s1;
	[bflag:$0x2] =	sbarrier.arrive $0xFFFF  }
0x6b: {  	[sflag:s0] =	ssyncadd.tile.s32 @!p0 $0x1;
	_ =	shalt  }
.Lfunc_end2:
_tile_overlayer_lowered:
.L_overlay_start_2:
0x6c: {  	(tag) =	ssettag $0x2  }
0x6d: {  	s0 =	rddreg [dreg:$0x0];
	s2 =	stileid.u32  }
0x6e: {  	s1 =	rddreg [dreg:$0x1];
	p0 =	sne.s32 s2, $0x0  }
0x6f: {  	s3 =	rddreg [dreg:$0x2];
	[bflag:$0x3] =	sbarrier.arrive $0xFFFF;
	s2 =	simm.s32 @!p0 $0x1C02  }
0x70: {  	[timem:s3], [sflag:s2] =	dma.local @!p0 [hbm:s0], s1  }
0x71: {  	s0 =	simm.s32 @!p0 $0x2  }
0x72: {  	_ =	swait.ge @!p0 [sflag:s0], s1  }
0x73: {  	s1 =	ssub.s32 @!p0 $0x0, s1;
	[sflag:s0] =	ssyncset.done @!p0 $0x0  }
0x74: {  	[sflag:s0] =	ssyncadd.s32 @!p0 s1  }
0x75: {  	[bflag:$0x3] =	sbarrier.arrive $0xFFFF  }
0x76: {  	_ =	shalt  }

</sc_bundles>
